<compile_context>
chip_gen: v7x
topology: tpu7x:2x2x1
jax: 0.10.2.dev20260603
libtpu: 0.0.44.dev20260713+nightly
codegen_flags: <defaults>
</compile_context>

<pallas_src>
import functools

import jax
import jax.numpy as jnp
from jax import lax
from jax.experimental import pallas as pl
from jax.experimental.pallas import tpu as pltpu
from jax.experimental.pallas import tpu_sc as plsc

_L = 16

_MESH = plsc.VectorSubcoreMesh(core_axis_name="c", subcore_axis_name="s", num_cores=1)


@functools.partial(
    pl.kernel,
    mesh=_MESH,
    out_type=jax.ShapeDtypeStruct((32, 96), jnp.float32),
    scratch_types=[
        pltpu.VMEM((64,), jnp.float32),
        pltpu.VMEM((64,), jnp.int32),
        pltpu.VMEM((32,), jnp.float32),
        pltpu.VMEM((2, 96), jnp.float32),
        pltpu.SemaphoreType.DMA,
    ],
)
def _sc_segsum_outer(val_hbm, idx_hbm, w_hbm, out_hbm, val_v, idx_v, w_v, rows_v, sem):
    s = lax.axis_index("s")

    c1 = pltpu.async_copy(val_hbm, val_v.at[pl.ds(0, 50)], sem)
    c2 = pltpu.async_copy(idx_hbm, idx_v.at[pl.ds(0, 50)], sem)
    c3 = pltpu.async_copy(w_hbm, w_v, sem)
    c1.wait()
    c2.wait()
    c3.wait()

    zeros = jnp.zeros((_L,), jnp.float32)
    lane = lax.iota(jnp.int32, _L)
    vals = [val_v[pl.ds(k * _L, _L)] for k in range(4)]
    ixs = [idx_v[pl.ds(k * _L, _L)] for k in range(4)]
    w0 = w_v[pl.ds(0, _L)]
    w1 = w_v[pl.ds(_L, _L)]
    for r in range(2):
        wid = s * 2 + r
        acc = zeros
        for k in range(4):
            m = ixs[k] == wid
            if k == 3:
                m = m & (lane < 2)
            acc = acc + jnp.where(m, vals[k], zeros)
        seg = acc[0]
        for i in range(1, _L):
            seg = seg + acc[i]
        rows_v[r, pl.ds(0, _L)] = seg * w0
        rows_v[r, pl.ds(_L, _L)] = seg * w1
        for k in range(2, 6):
            rows_v[r, pl.ds(k * _L, _L)] = zeros
    pltpu.sync_copy(rows_v, out_hbm.at[pl.ds(s * 2, 2)])


def kernel(arg1_1, arg2_1, W):
    return _sc_segsum_outer(arg1_1.reshape(50), arg2_1, W)

# --- scband reference (transcript-rebuilt; emitter-appended) ---
"""Pipeline reference for scband-repro-4398046511292 (READ-ONLY COPY).

The authoritative reference and input builder live on the scoring server;
editing this copy changes nothing except your own understanding.
"""

import jax, jax.numpy as jnp
import numpy as np


def setup_inputs(seed: int = 0) -> dict:
    key = jax.random.key(seed)
    k1, k2, k3 = jax.random.split(key, 3)
    arg1_1 = jax.random.normal(k1, (50, 1), dtype=jnp.float32)
    arg2_1 = jax.random.randint(k2, (50,), 0, 32, dtype=jnp.int32)
    W = jax.random.normal(k3, (32,), dtype=jnp.float32)
    return {"arg1_1": arg1_1, "arg2_1": arg2_1, "W": W}


def reference(arg1_1, arg2_1, W):
    # scatter_add: out[idx[i], 0] += arg1_1[i, 0], into a [32, 1] accumulator
    seg_sum = jnp.zeros((32, 1), dtype=jnp.float32).at[arg2_1].add(arg1_1)
    # sum over a singleton dim + permutes are no-ops on [32,1,1]; net effect: [32,1]
    view_6 = seg_sum.reshape(32, 1)
    # weight viewed as [1, 32]; mm -> [32, 32]
    w_row = W.reshape(1, 32)
    mm = view_6 @ w_row  # [32, 32]
    # permute [32,1,32]->[32,32,1]->view [32,32] is identity on the data here
    view_9 = mm.reshape(32, 1, 32).transpose(0, 2, 1).reshape(32, 32)
    zeros_a = jnp.zeros((32, 24), dtype=jnp.float32)
    zeros_b = jnp.zeros((32, 40), dtype=jnp.float32)
    cat = jnp.concatenate([view_9, zeros_a, zeros_b], axis=-1)  # [32, 96]
    return cat

if __name__ == "__main__":
    import jax
    _d = setup_inputs()
    print(jax.jit(kernel)(*tuple(_d.values())))

</pallas_src>

<mosaic_0001>
#map = affine_map<(d0, d1) -> (0)>
#map1 = affine_map<(d0, d1) -> (0, 0)>
module attributes {stable_mosaic.version = 14 : i64} {
  func.func @_sc_segsum_outer(%arg0: i32, %arg1: i32, %arg2: memref<50xf32, #tpu.memory_space<hbm>>, %arg3: memref<50xi32, #tpu.memory_space<hbm>>, %arg4: memref<32xf32, #tpu.memory_space<hbm>>, %arg5: memref<32x96xf32, #tpu.memory_space<hbm>>, %arg6: memref<64xf32, #tpu.memory_space<vmem>>, %arg7: memref<64xi32, #tpu.memory_space<vmem>>, %arg8: memref<32xf32, #tpu.memory_space<vmem>>, %arg9: memref<2x96xf32, #tpu.memory_space<vmem>>, %arg10: memref<!tpu.dma_semaphore, #tpu.memory_space<semaphore_mem>>) attributes {dimension_semantics = [#tpu.dimension_semantics<core_parallel>, #tpu.dimension_semantics<subcore_parallel>], iteration_bounds = array<i64: 1, 16>, scalar_prefetch = 0 : i64, scratch_operands = 5 : i64, tpu.core_type = #tpu.core_type<sc_vector_subcore>, window_params = [{transform_indices = #map}, {transform_indices = #map}, {transform_indices = #map}, {transform_indices = #map1}]} {
    %dma_start3A = arith.constant 0 : i32
    %dma_start3A_0 = tpu.memref_slice %arg6[%dma_start3A] : memref<64xf32, #tpu.memory_space<vmem>> -> memref<50xf32, #tpu.memory_space<vmem>>
    %dma_start3A_1 = arith.constant 0 : i32
    %dma_start3A_2 = tpu.memref_slice %arg6[%dma_start3A_1] : memref<64xf32, #tpu.memory_space<vmem>> -> memref<50xf32, #tpu.memory_space<vmem>>
    tpu.enqueue_dma source(%arg2 : memref<50xf32, #tpu.memory_space<hbm>>) target(%dma_start3A_2 : memref<50xf32, #tpu.memory_space<vmem>>) target_semaphore(%arg10 : memref<!tpu.dma_semaphore, #tpu.memory_space<semaphore_mem>>)
    %dma_start3A_3 = arith.constant 0 : i32
    %dma_start3A_4 = tpu.memref_slice %arg7[%dma_start3A_3] : memref<64xi32, #tpu.memory_space<vmem>> -> memref<50xi32, #tpu.memory_space<vmem>>
    %dma_start3A_5 = arith.constant 0 : i32
    %dma_start3A_6 = tpu.memref_slice %arg7[%dma_start3A_5] : memref<64xi32, #tpu.memory_space<vmem>> -> memref<50xi32, #tpu.memory_space<vmem>>
    tpu.enqueue_dma source(%arg3 : memref<50xi32, #tpu.memory_space<hbm>>) target(%dma_start3A_6 : memref<50xi32, #tpu.memory_space<vmem>>) target_semaphore(%arg10 : memref<!tpu.dma_semaphore, #tpu.memory_space<semaphore_mem>>)
    tpu.enqueue_dma source(%arg4 : memref<32xf32, #tpu.memory_space<hbm>>) target(%arg8 : memref<32xf32, #tpu.memory_space<vmem>>) target_semaphore(%arg10 : memref<!tpu.dma_semaphore, #tpu.memory_space<semaphore_mem>>)
    %dma_wait3A = arith.constant 0 : i32
    %dma_wait3A_7 = tpu.memref_slice %arg6[%dma_wait3A] : memref<64xf32, #tpu.memory_space<vmem>> -> memref<50xf32, #tpu.memory_space<vmem>>
    %dma_wait3A_8 = arith.constant 0 : i32
    %dma_wait3A_9 = tpu.memref_slice %arg6[%dma_wait3A_8] : memref<64xf32, #tpu.memory_space<vmem>> -> memref<50xf32, #tpu.memory_space<vmem>>
    tpu.wait_dma2 semaphore(%arg10 : memref<!tpu.dma_semaphore, #tpu.memory_space<semaphore_mem>>) src(%arg2 : memref<50xf32, #tpu.memory_space<hbm>>) dst(%dma_wait3A_9 : memref<50xf32, #tpu.memory_space<vmem>>)
    %dma_wait3A_10 = arith.constant 0 : i32
    %dma_wait3A_11 = tpu.memref_slice %arg7[%dma_wait3A_10] : memref<64xi32, #tpu.memory_space<vmem>> -> memref<50xi32, #tpu.memory_space<vmem>>
    %dma_wait3A_12 = arith.constant 0 : i32
    %dma_wait3A_13 = tpu.memref_slice %arg7[%dma_wait3A_12] : memref<64xi32, #tpu.memory_space<vmem>> -> memref<50xi32, #tpu.memory_space<vmem>>
    tpu.wait_dma2 semaphore(%arg10 : memref<!tpu.dma_semaphore, #tpu.memory_space<semaphore_mem>>) src(%arg3 : memref<50xi32, #tpu.memory_space<hbm>>) dst(%dma_wait3A_13 : memref<50xi32, #tpu.memory_space<vmem>>)
    tpu.wait_dma2 semaphore(%arg10 : memref<!tpu.dma_semaphore, #tpu.memory_space<semaphore_mem>>) src(%arg4 : memref<32xf32, #tpu.memory_space<hbm>>) dst(%arg8 : memref<32xf32, #tpu.memory_space<vmem>>)
    %broadcast_in_dim3A = arith.constant 0.000000e+00 : f32
    %broadcast_in_dim3A_14 = vector.broadcast %broadcast_in_dim3A : f32 to vector<16xf32>
    %iota3A = tpu.iota {dimensions = array<i32: 0>} : vector<16xi32>
    %get3A = arith.constant 0 : index
    %get3A_15 = tpu.vector_load %arg6[%get3A] {strides = array<i32>} : memref<64xf32, #tpu.memory_space<vmem>>, vector<16xf32>,
    %get3A_16 = vector.shape_cast %get3A_15 : vector<16xf32> to vector<16xf32>
    %get3A_17 = arith.constant 16 : index
    %get3A_18 = tpu.vector_load %arg6[%get3A_17] {strides = array<i32>} : memref<64xf32, #tpu.memory_space<vmem>>, vector<16xf32>,
    %get3A_19 = vector.shape_cast %get3A_18 : vector<16xf32> to vector<16xf32>
    %get3A_20 = arith.constant 32 : index
    %get3A_21 = tpu.vector_load %arg6[%get3A_20] {strides = array<i32>} : memref<64xf32, #tpu.memory_space<vmem>>, vector<16xf32>,
    %get3A_22 = vector.shape_cast %get3A_21 : vector<16xf32> to vector<16xf32>
    %get3A_23 = arith.constant 48 : index
    %get3A_24 = tpu.vector_load %arg6[%get3A_23] {strides = array<i32>} : memref<64xf32, #tpu.memory_space<vmem>>, vector<16xf32>,
    %get3A_25 = vector.shape_cast %get3A_24 : vector<16xf32> to vector<16xf32>
    %get3A_26 = arith.constant 0 : index
    %get3A_27 = tpu.vector_load %arg7[%get3A_26] {strides = array<i32>} : memref<64xi32, #tpu.memory_space<vmem>>, vector<16xi32>,
    %get3A_28 = vector.shape_cast %get3A_27 : vector<16xi32> to vector<16xi32>
    %get3A_29 = arith.constant 16 : index
    %get3A_30 = tpu.vector_load %arg7[%get3A_29] {strides = array<i32>} : memref<64xi32, #tpu.memory_space<vmem>>, vector<16xi32>,
    %get3A_31 = vector.shape_cast %get3A_30 : vector<16xi32> to vector<16xi32>
    %get3A_32 = arith.constant 32 : index
    %get3A_33 = tpu.vector_load %arg7[%get3A_32] {strides = array<i32>} : memref<64xi32, #tpu.memory_space<vmem>>, vector<16xi32>,
    %get3A_34 = vector.shape_cast %get3A_33 : vector<16xi32> to vector<16xi32>
    %get3A_35 = arith.constant 48 : index
    %get3A_36 = tpu.vector_load %arg7[%get3A_35] {strides = array<i32>} : memref<64xi32, #tpu.memory_space<vmem>>, vector<16xi32>,
    %get3A_37 = vector.shape_cast %get3A_36 : vector<16xi32> to vector<16xi32>
    %get3A_38 = arith.constant 0 : index
    %get3A_39 = tpu.vector_load %arg8[%get3A_38] {strides = array<i32>} : memref<32xf32, #tpu.memory_space<vmem>>, vector<16xf32>,
    %get3A_40 = vector.shape_cast %get3A_39 : vector<16xf32> to vector<16xf32>
    %get3A_41 = arith.constant 16 : index
    %get3A_42 = tpu.vector_load %arg8[%get3A_41] {strides = array<i32>} : memref<32xf32, #tpu.memory_space<vmem>>, vector<16xf32>,
    %get3A_43 = vector.shape_cast %get3A_42 : vector<16xf32> to vector<16xf32>
    %mul3A = arith.constant 2 : i32
    %mul3A_44 = arith.muli %arg1, %mul3A : i32
    %add3A = arith.constant 0 : i32
    %add3A_45 = arith.addi %mul3A_44, %add3A : i32
    %eq3A = vector.broadcast %add3A_45 : i32 to vector<16xi32>
    %eq3A_46 = arith.cmpi eq, %get3A_28, %eq3A : vector<16xi32>
    %select_n3A = arith.select %eq3A_46, %get3A_16, %broadcast_in_dim3A_14 : vector<16xi1>, vector<16xf32>
    %add3A_47 = arith.addf %broadcast_in_dim3A_14, %select_n3A : vector<16xf32>
    %eq3A_48 = vector.broadcast %add3A_45 : i32 to vector<16xi32>
    %eq3A_49 = arith.cmpi eq, %get3A_31, %eq3A_48 : vector<16xi32>
    %select_n3A_50 = arith.select %eq3A_49, %get3A_19, %broadcast_in_dim3A_14 : vector<16xi1>, vector<16xf32>
    %add3A_51 = arith.addf %add3A_47, %select_n3A_50 : vector<16xf32>
    %eq3A_52 = vector.broadcast %add3A_45 : i32 to vector<16xi32>
    %eq3A_53 = arith.cmpi eq, %get3A_34, %eq3A_52 : vector<16xi32>
    %select_n3A_54 = arith.select %eq3A_53, %get3A_22, %broadcast_in_dim3A_14 : vector<16xi1>, vector<16xf32>
    %add3A_55 = arith.addf %add3A_51, %select_n3A_54 : vector<16xf32>
    %eq3A_56 = vector.broadcast %add3A_45 : i32 to vector<16xi32>
    %eq3A_57 = arith.cmpi eq, %get3A_37, %eq3A_56 : vector<16xi32>
    %lt3A = arith.constant 2 : i32
    %lt3A_58 = vector.broadcast %lt3A : i32 to vector<16xi32>
    %lt3A_59 = arith.cmpi slt, %iota3A, %lt3A_58 : vector<16xi32>
    %and3A = arith.andi %eq3A_57, %lt3A_59 : vector<16xi1>
    %select_n3A_60 = arith.select %and3A, %get3A_25, %broadcast_in_dim3A_14 : vector<16xi1>, vector<16xf32>
    %add3A_61 = arith.addf %add3A_55, %select_n3A_60 : vector<16xf32>
    %slice3A = vector.extract_strided_slice %add3A_61 {offsets = [0], sizes = [1], strides = [1]} : vector<16xf32> to vector<1xf32>
    %squeeze3A = vector.extract %slice3A[0] : f32 from vector<1xf32>
    %slice3A_62 = vector.extract_strided_slice %add3A_61 {offsets = [1], sizes = [1], strides = [1]} : vector<16xf32> to vector<1xf32>
    %squeeze3A_63 = vector.extract %slice3A_62[0] : f32 from vector<1xf32>
    %add3A_64 = arith.addf %squeeze3A, %squeeze3A_63 : f32
    %slice3A_65 = vector.extract_strided_slice %add3A_61 {offsets = [2], sizes = [1], strides = [1]} : vector<16xf32> to vector<1xf32>
    %squeeze3A_66 = vector.extract %slice3A_65[0] : f32 from vector<1xf32>
    %add3A_67 = arith.addf %add3A_64, %squeeze3A_66 : f32
    %slice3A_68 = vector.extract_strided_slice %add3A_61 {offsets = [3], sizes = [1], strides = [1]} : vector<16xf32> to vector<1xf32>
    %squeeze3A_69 = vector.extract %slice3A_68[0] : f32 from vector<1xf32>
    %add3A_70 = arith.addf %add3A_67, %squeeze3A_69 : f32
    %slice3A_71 = vector.extract_strided_slice %add3A_61 {offsets = [4], sizes = [1], strides = [1]} : vector<16xf32> to vector<1xf32>
    %squeeze3A_72 = vector.extract %slice3A_71[0] : f32 from vector<1xf32>
    %add3A_73 = arith.addf %add3A_70, %squeeze3A_72 : f32
    %slice3A_74 = vector.extract_strided_slice %add3A_61 {offsets = [5], sizes = [1], strides = [1]} : vector<16xf32> to vector<1xf32>
    %squeeze3A_75 = vector.extract %slice3A_74[0] : f32 from vector<1xf32>
    %add3A_76 = arith.addf %add3A_73, %squeeze3A_75 : f32
    %slice3A_77 = vector.extract_strided_slice %add3A_61 {offsets = [6], sizes = [1], strides = [1]} : vector<16xf32> to vector<1xf32>
    %squeeze3A_78 = vector.extract %slice3A_77[0] : f32 from vector<1xf32>
    %add3A_79 = arith.addf %add3A_76, %squeeze3A_78 : f32
    %slice3A_80 = vector.extract_strided_slice %add3A_61 {offsets = [7], sizes = [1], strides = [1]} : vector<16xf32> to vector<1xf32>
    %squeeze3A_81 = vector.extract %slice3A_80[0] : f32 from vector<1xf32>
    %add3A_82 = arith.addf %add3A_79, %squeeze3A_81 : f32
    %slice3A_83 = vector.extract_strided_slice %add3A_61 {offsets = [8], sizes = [1], strides = [1]} : vector<16xf32> to vector<1xf32>
    %squeeze3A_84 = vector.extract %slice3A_83[0] : f32 from vector<1xf32>
    %add3A_85 = arith.addf %add3A_82, %squeeze3A_84 : f32
    %slice3A_86 = vector.extract_strided_slice %add3A_61 {offsets = [9], sizes = [1], strides = [1]} : vector<16xf32> to vector<1xf32>
    %squeeze3A_87 = vector.extract %slice3A_86[0] : f32 from vector<1xf32>
    %add3A_88 = arith.addf %add3A_85, %squeeze3A_87 : f32
    %slice3A_89 = vector.extract_strided_slice %add3A_61 {offsets = [10], sizes = [1], strides = [1]} : vector<16xf32> to vector<1xf32>
    %squeeze3A_90 = vector.extract %slice3A_89[0] : f32 from vector<1xf32>
    %add3A_91 = arith.addf %add3A_88, %squeeze3A_90 : f32
    %slice3A_92 = vector.extract_strided_slice %add3A_61 {offsets = [11], sizes = [1], strides = [1]} : vector<16xf32> to vector<1xf32>
    %squeeze3A_93 = vector.extract %slice3A_92[0] : f32 from vector<1xf32>
    %add3A_94 = arith.addf %add3A_91, %squeeze3A_93 : f32
    %slice3A_95 = vector.extract_strided_slice %add3A_61 {offsets = [12], sizes = [1], strides = [1]} : vector<16xf32> to vector<1xf32>
    %squeeze3A_96 = vector.extract %slice3A_95[0] : f32 from vector<1xf32>
    %add3A_97 = arith.addf %add3A_94, %squeeze3A_96 : f32
    %slice3A_98 = vector.extract_strided_slice %add3A_61 {offsets = [13], sizes = [1], strides = [1]} : vector<16xf32> to vector<1xf32>
    %squeeze3A_99 = vector.extract %slice3A_98[0] : f32 from vector<1xf32>
    %add3A_100 = arith.addf %add3A_97, %squeeze3A_99 : f32
    %slice3A_101 = vector.extract_strided_slice %add3A_61 {offsets = [14], sizes = [1], strides = [1]} : vector<16xf32> to vector<1xf32>
    %squeeze3A_102 = vector.extract %slice3A_101[0] : f32 from vector<1xf32>
    %add3A_103 = arith.addf %add3A_100, %squeeze3A_102 : f32
    %slice3A_104 = vector.extract_strided_slice %add3A_61 {offsets = [15], sizes = [1], strides = [1]} : vector<16xf32> to vector<1xf32>
    %squeeze3A_105 = vector.extract %slice3A_104[0] : f32 from vector<1xf32>
    %add3A_106 = arith.addf %add3A_103, %squeeze3A_105 : f32
    %mul3A_107 = vector.broadcast %add3A_106 : f32 to vector<16xf32>
    %mul3A_108 = arith.mulf %mul3A_107, %get3A_40 : vector<16xf32>
    %swap3A = arith.constant 0 : i32
    %swap3A_109 = arith.index_cast %swap3A : i32 to index
    %swap3A_110 = arith.constant 0 : index
    %swap3A_111 = tpu.vector_load %arg9[%swap3A_109, %swap3A_110] {strides = array<i32>} : memref<2x96xf32, #tpu.memory_space<vmem>>, vector<1x16xf32>,
    %swap3A_112 = vector.shape_cast %swap3A_111 : vector<1x16xf32> to vector<16xf32>
    %swap3A_113 = vector.shape_cast %mul3A_108 : vector<16xf32> to vector<1x16xf32>
    tpu.vector_store %arg9[%swap3A_109, %swap3A_110], %swap3A_113 {strides = array<i32>} : memref<2x96xf32, #tpu.memory_space<vmem>>, vector<1x16xf32>,
    %mul3A_114 = vector.broadcast %add3A_106 : f32 to vector<16xf32>
    %mul3A_115 = arith.mulf %mul3A_114, %get3A_43 : vector<16xf32>
    %swap3A_116 = arith.constant 0 : i32
    %swap3A_117 = arith.index_cast %swap3A_116 : i32 to index
    %swap3A_118 = arith.constant 16 : index
    %swap3A_119 = tpu.vector_load %arg9[%swap3A_117, %swap3A_118] {strides = array<i32>} : memref<2x96xf32, #tpu.memory_space<vmem>>, vector<1x16xf32>,
    %swap3A_120 = vector.shape_cast %swap3A_119 : vector<1x16xf32> to vector<16xf32>
    %swap3A_121 = vector.shape_cast %mul3A_115 : vector<16xf32> to vector<1x16xf32>
    tpu.vector_store %arg9[%swap3A_117, %swap3A_118], %swap3A_121 {strides = array<i32>} : memref<2x96xf32, #tpu.memory_space<vmem>>, vector<1x16xf32>,
    %swap3A_122 = arith.constant 0 : i32
    %swap3A_123 = arith.index_cast %swap3A_122 : i32 to index
    %swap3A_124 = arith.constant 32 : index
    %swap3A_125 = tpu.vector_load %arg9[%swap3A_123, %swap3A_124] {strides = array<i32>} : memref<2x96xf32, #tpu.memory_space<vmem>>, vector<1x16xf32>,
    %swap3A_126 = vector.shape_cast %swap3A_125 : vector<1x16xf32> to vector<16xf32>
    %swap3A_127 = vector.shape_cast %broadcast_in_dim3A_14 : vector<16xf32> to vector<1x16xf32>
    tpu.vector_store %arg9[%swap3A_123, %swap3A_124], %swap3A_127 {strides = array<i32>} : memref<2x96xf32, #tpu.memory_space<vmem>>, vector<1x16xf32>,
    %swap3A_128 = arith.constant 0 : i32
    %swap3A_129 = arith.index_cast %swap3A_128 : i32 to index
    %swap3A_130 = arith.constant 48 : index
    %swap3A_131 = tpu.vector_load %arg9[%swap3A_129, %swap3A_130] {strides = array<i32>} : memref<2x96xf32, #tpu.memory_space<vmem>>, vector<1x16xf32>,
    %swap3A_132 = vector.shape_cast %swap3A_131 : vector<1x16xf32> to vector<16xf32>
    %swap3A_133 = vector.shape_cast %broadcast_in_dim3A_14 : vector<16xf32> to vector<1x16xf32>
    tpu.vector_store %arg9[%swap3A_129, %swap3A_130], %swap3A_133 {strides = array<i32>} : memref<2x96xf32, #tpu.memory_space<vmem>>, vector<1x16xf32>,
    %swap3A_134 = arith.constant 0 : i32
    %swap3A_135 = arith.index_cast %swap3A_134 : i32 to index
    %swap3A_136 = arith.constant 64 : index
    %swap3A_137 = tpu.vector_load %arg9[%swap3A_135, %swap3A_136] {strides = array<i32>} : memref<2x96xf32, #tpu.memory_space<vmem>>, vector<1x16xf32>,
    %swap3A_138 = vector.shape_cast %swap3A_137 : vector<1x16xf32> to vector<16xf32>
    %swap3A_139 = vector.shape_cast %broadcast_in_dim3A_14 : vector<16xf32> to vector<1x16xf32>
    tpu.vector_store %arg9[%swap3A_135, %swap3A_136], %swap3A_139 {strides = array<i32>} : memref<2x96xf32, #tpu.memory_space<vmem>>, vector<1x16xf32>,
    %swap3A_140 = arith.constant 0 : i32
    %swap3A_141 = arith.index_cast %swap3A_140 : i32 to index
    %swap3A_142 = arith.constant 80 : index
    %swap3A_143 = tpu.vector_load %arg9[%swap3A_141, %swap3A_142] {strides = array<i32>} : memref<2x96xf32, #tpu.memory_space<vmem>>, vector<1x16xf32>,
    %swap3A_144 = vector.shape_cast %swap3A_143 : vector<1x16xf32> to vector<16xf32>
    %swap3A_145 = vector.shape_cast %broadcast_in_dim3A_14 : vector<16xf32> to vector<1x16xf32>
    tpu.vector_store %arg9[%swap3A_141, %swap3A_142], %swap3A_145 {strides = array<i32>} : memref<2x96xf32, #tpu.memory_space<vmem>>, vector<1x16xf32>,
    %mul3A_146 = arith.constant 2 : i32
    %mul3A_147 = arith.muli %arg1, %mul3A_146 : i32
    %add3A_148 = arith.constant 1 : i32
    %add3A_149 = arith.addi %mul3A_147, %add3A_148 : i32
    %eq3A_150 = vector.broadcast %add3A_149 : i32 to vector<16xi32>
    %eq3A_151 = arith.cmpi eq, %get3A_28, %eq3A_150 : vector<16xi32>
    %select_n3A_152 = arith.select %eq3A_151, %get3A_16, %broadcast_in_dim3A_14 : vector<16xi1>, vector<16xf32>
    %add3A_153 = arith.addf %broadcast_in_dim3A_14, %select_n3A_152 : vector<16xf32>
    %eq3A_154 = vector.broadcast %add3A_149 : i32 to vector<16xi32>
    %eq3A_155 = arith.cmpi eq, %get3A_31, %eq3A_154 : vector<16xi32>
    %select_n3A_156 = arith.select %eq3A_155, %get3A_19, %broadcast_in_dim3A_14 : vector<16xi1>, vector<16xf32>
    %add3A_157 = arith.addf %add3A_153, %select_n3A_156 : vector<16xf32>
    %eq3A_158 = vector.broadcast %add3A_149 : i32 to vector<16xi32>
    %eq3A_159 = arith.cmpi eq, %get3A_34, %eq3A_158 : vector<16xi32>
    %select_n3A_160 = arith.select %eq3A_159, %get3A_22, %broadcast_in_dim3A_14 : vector<16xi1>, vector<16xf32>
    %add3A_161 = arith.addf %add3A_157, %select_n3A_160 : vector<16xf32>
    %eq3A_162 = vector.broadcast %add3A_149 : i32 to vector<16xi32>
    %eq3A_163 = arith.cmpi eq, %get3A_37, %eq3A_162 : vector<16xi32>
    %lt3A_164 = arith.constant 2 : i32
    %lt3A_165 = vector.broadcast %lt3A_164 : i32 to vector<16xi32>
    %lt3A_166 = arith.cmpi slt, %iota3A, %lt3A_165 : vector<16xi32>
    %and3A_167 = arith.andi %eq3A_163, %lt3A_166 : vector<16xi1>
    %select_n3A_168 = arith.select %and3A_167, %get3A_25, %broadcast_in_dim3A_14 : vector<16xi1>, vector<16xf32>
    %add3A_169 = arith.addf %add3A_161, %select_n3A_168 : vector<16xf32>
    %slice3A_170 = vector.extract_strided_slice %add3A_169 {offsets = [0], sizes = [1], strides = [1]} : vector<16xf32> to vector<1xf32>
    %squeeze3A_171 = vector.extract %slice3A_170[0] : f32 from vector<1xf32>
    %slice3A_172 = vector.extract_strided_slice %add3A_169 {offsets = [1], sizes = [1], strides = [1]} : vector<16xf32> to vector<1xf32>
    %squeeze3A_173 = vector.extract %slice3A_172[0] : f32 from vector<1xf32>
    %add3A_174 = arith.addf %squeeze3A_171, %squeeze3A_173 : f32
    %slice3A_175 = vector.extract_strided_slice %add3A_169 {offsets = [2], sizes = [1], strides = [1]} : vector<16xf32> to vector<1xf32>
    %squeeze3A_176 = vector.extract %slice3A_175[0] : f32 from vector<1xf32>
    %add3A_177 = arith.addf %add3A_174, %squeeze3A_176 : f32
    %slice3A_178 = vector.extract_strided_slice %add3A_169 {offsets = [3], sizes = [1], strides = [1]} : vector<16xf32> to vector<1xf32>
    %squeeze3A_179 = vector.extract %slice3A_178[0] : f32 from vector<1xf32>
    %add3A_180 = arith.addf %add3A_177, %squeeze3A_179 : f32
    %slice3A_181 = vector.extract_strided_slice %add3A_169 {offsets = [4], sizes = [1], strides = [1]} : vector<16xf32> to vector<1xf32>
    %squeeze3A_182 = vector.extract %slice3A_181[0] : f32 from vector<1xf32>
    %add3A_183 = arith.addf %add3A_180, %squeeze3A_182 : f32
    %slice3A_184 = vector.extract_strided_slice %add3A_169 {offsets = [5], sizes = [1], strides = [1]} : vector<16xf32> to vector<1xf32>
    %squeeze3A_185 = vector.extract %slice3A_184[0] : f32 from vector<1xf32>
    %add3A_186 = arith.addf %add3A_183, %squeeze3A_185 : f32
    %slice3A_187 = vector.extract_strided_slice %add3A_169 {offsets = [6], sizes = [1], strides = [1]} : vector<16xf32> to vector<1xf32>
    %squeeze3A_188 = vector.extract %slice3A_187[0] : f32 from vector<1xf32>
    %add3A_189 = arith.addf %add3A_186, %squeeze3A_188 : f32
    %slice3A_190 = vector.extract_strided_slice %add3A_169 {offsets = [7], sizes = [1], strides = [1]} : vector<16xf32> to vector<1xf32>
    %squeeze3A_191 = vector.extract %slice3A_190[0] : f32 from vector<1xf32>
    %add3A_192 = arith.addf %add3A_189, %squeeze3A_191 : f32
    %slice3A_193 = vector.extract_strided_slice %add3A_169 {offsets = [8], sizes = [1], strides = [1]} : vector<16xf32> to vector<1xf32>
    %squeeze3A_194 = vector.extract %slice3A_193[0] : f32 from vector<1xf32>
    %add3A_195 = arith.addf %add3A_192, %squeeze3A_194 : f32
    %slice3A_196 = vector.extract_strided_slice %add3A_169 {offsets = [9], sizes = [1], strides = [1]} : vector<16xf32> to vector<1xf32>
    %squeeze3A_197 = vector.extract %slice3A_196[0] : f32 from vector<1xf32>
    %add3A_198 = arith.addf %add3A_195, %squeeze3A_197 : f32
    %slice3A_199 = vector.extract_strided_slice %add3A_169 {offsets = [10], sizes = [1], strides = [1]} : vector<16xf32> to vector<1xf32>
    %squeeze3A_200 = vector.extract %slice3A_199[0] : f32 from vector<1xf32>
    %add3A_201 = arith.addf %add3A_198, %squeeze3A_200 : f32
    %slice3A_202 = vector.extract_strided_slice %add3A_169 {offsets = [11], sizes = [1], strides = [1]} : vector<16xf32> to vector<1xf32>
    %squeeze3A_203 = vector.extract %slice3A_202[0] : f32 from vector<1xf32>
    %add3A_204 = arith.addf %add3A_201, %squeeze3A_203 : f32
    %slice3A_205 = vector.extract_strided_slice %add3A_169 {offsets = [12], sizes = [1], strides = [1]} : vector<16xf32> to vector<1xf32>
    %squeeze3A_206 = vector.extract %slice3A_205[0] : f32 from vector<1xf32>
    %add3A_207 = arith.addf %add3A_204, %squeeze3A_206 : f32
    %slice3A_208 = vector.extract_strided_slice %add3A_169 {offsets = [13], sizes = [1], strides = [1]} : vector<16xf32> to vector<1xf32>
    %squeeze3A_209 = vector.extract %slice3A_208[0] : f32 from vector<1xf32>
    %add3A_210 = arith.addf %add3A_207, %squeeze3A_209 : f32
    %slice3A_211 = vector.extract_strided_slice %add3A_169 {offsets = [14], sizes = [1], strides = [1]} : vector<16xf32> to vector<1xf32>
    %squeeze3A_212 = vector.extract %slice3A_211[0] : f32 from vector<1xf32>
    %add3A_213 = arith.addf %add3A_210, %squeeze3A_212 : f32
    %slice3A_214 = vector.extract_strided_slice %add3A_169 {offsets = [15], sizes = [1], strides = [1]} : vector<16xf32> to vector<1xf32>
    %squeeze3A_215 = vector.extract %slice3A_214[0] : f32 from vector<1xf32>
    %add3A_216 = arith.addf %add3A_213, %squeeze3A_215 : f32
    %mul3A_217 = vector.broadcast %add3A_216 : f32 to vector<16xf32>
    %mul3A_218 = arith.mulf %mul3A_217, %get3A_40 : vector<16xf32>
    %swap3A_219 = arith.constant 1 : i32
    %swap3A_220 = arith.index_cast %swap3A_219 : i32 to index
    %swap3A_221 = arith.constant 0 : index
    %swap3A_222 = tpu.vector_load %arg9[%swap3A_220, %swap3A_221] {strides = array<i32>} : memref<2x96xf32, #tpu.memory_space<vmem>>, vector<1x16xf32>,
    %swap3A_223 = vector.shape_cast %swap3A_222 : vector<1x16xf32> to vector<16xf32>
    %swap3A_224 = vector.shape_cast %mul3A_218 : vector<16xf32> to vector<1x16xf32>
    tpu.vector_store %arg9[%swap3A_220, %swap3A_221], %swap3A_224 {strides = array<i32>} : memref<2x96xf32, #tpu.memory_space<vmem>>, vector<1x16xf32>,
    %mul3A_225 = vector.broadcast %add3A_216 : f32 to vector<16xf32>
    %mul3A_226 = arith.mulf %mul3A_225, %get3A_43 : vector<16xf32>
    %swap3A_227 = arith.constant 1 : i32
    %swap3A_228 = arith.index_cast %swap3A_227 : i32 to index
    %swap3A_229 = arith.constant 16 : index
    %swap3A_230 = tpu.vector_load %arg9[%swap3A_228, %swap3A_229] {strides = array<i32>} : memref<2x96xf32, #tpu.memory_space<vmem>>, vector<1x16xf32>,
    %swap3A_231 = vector.shape_cast %swap3A_230 : vector<1x16xf32> to vector<16xf32>
    %swap3A_232 = vector.shape_cast %mul3A_226 : vector<16xf32> to vector<1x16xf32>
    tpu.vector_store %arg9[%swap3A_228, %swap3A_229], %swap3A_232 {strides = array<i32>} : memref<2x96xf32, #tpu.memory_space<vmem>>, vector<1x16xf32>,
    %swap3A_233 = arith.constant 1 : i32
    %swap3A_234 = arith.index_cast %swap3A_233 : i32 to index
    %swap3A_235 = arith.constant 32 : index
    %swap3A_236 = tpu.vector_load %arg9[%swap3A_234, %swap3A_235] {strides = array<i32>} : memref<2x96xf32, #tpu.memory_space<vmem>>, vector<1x16xf32>,
    %swap3A_237 = vector.shape_cast %swap3A_236 : vector<1x16xf32> to vector<16xf32>
    %swap3A_238 = vector.shape_cast %broadcast_in_dim3A_14 : vector<16xf32> to vector<1x16xf32>
    tpu.vector_store %arg9[%swap3A_234, %swap3A_235], %swap3A_238 {strides = array<i32>} : memref<2x96xf32, #tpu.memory_space<vmem>>, vector<1x16xf32>,
    %swap3A_239 = arith.constant 1 : i32
    %swap3A_240 = arith.index_cast %swap3A_239 : i32 to index
    %swap3A_241 = arith.constant 48 : index
    %swap3A_242 = tpu.vector_load %arg9[%swap3A_240, %swap3A_241] {strides = array<i32>} : memref<2x96xf32, #tpu.memory_space<vmem>>, vector<1x16xf32>,
    %swap3A_243 = vector.shape_cast %swap3A_242 : vector<1x16xf32> to vector<16xf32>
    %swap3A_244 = vector.shape_cast %broadcast_in_dim3A_14 : vector<16xf32> to vector<1x16xf32>
    tpu.vector_store %arg9[%swap3A_240, %swap3A_241], %swap3A_244 {strides = array<i32>} : memref<2x96xf32, #tpu.memory_space<vmem>>, vector<1x16xf32>,
    %swap3A_245 = arith.constant 1 : i32
    %swap3A_246 = arith.index_cast %swap3A_245 : i32 to index
    %swap3A_247 = arith.constant 64 : index
    %swap3A_248 = tpu.vector_load %arg9[%swap3A_246, %swap3A_247] {strides = array<i32>} : memref<2x96xf32, #tpu.memory_space<vmem>>, vector<1x16xf32>,
    %swap3A_249 = vector.shape_cast %swap3A_248 : vector<1x16xf32> to vector<16xf32>
    %swap3A_250 = vector.shape_cast %broadcast_in_dim3A_14 : vector<16xf32> to vector<1x16xf32>
    tpu.vector_store %arg9[%swap3A_246, %swap3A_247], %swap3A_250 {strides = array<i32>} : memref<2x96xf32, #tpu.memory_space<vmem>>, vector<1x16xf32>,
    %swap3A_251 = arith.constant 1 : i32
    %swap3A_252 = arith.index_cast %swap3A_251 : i32 to index
    %swap3A_253 = arith.constant 80 : index
    %swap3A_254 = tpu.vector_load %arg9[%swap3A_252, %swap3A_253] {strides = array<i32>} : memref<2x96xf32, #tpu.memory_space<vmem>>, vector<1x16xf32>,
    %swap3A_255 = vector.shape_cast %swap3A_254 : vector<1x16xf32> to vector<16xf32>
    %swap3A_256 = vector.shape_cast %broadcast_in_dim3A_14 : vector<16xf32> to vector<1x16xf32>
    tpu.vector_store %arg9[%swap3A_252, %swap3A_253], %swap3A_256 {strides = array<i32>} : memref<2x96xf32, #tpu.memory_space<vmem>>, vector<1x16xf32>,
    %mul3A_257 = arith.constant 2 : i32
    %mul3A_258 = arith.muli %arg1, %mul3A_257 : i32
    "tpu.region"() ({
      %run_scoped3A = tpu.sem_alloc : memref<!tpu.dma_semaphore, #tpu.memory_space<semaphore_mem>>
      %dma_start3A_259 = arith.constant 0 : i32
      %dma_start3A_260 = tpu.memref_slice %arg5[%mul3A_258, %dma_start3A_259] : memref<32x96xf32, #tpu.memory_space<hbm>> -> memref<2x96xf32, #tpu.memory_space<hbm>>
      %dma_start3A_261 = arith.constant 0 : i32
      %dma_start3A_262 = tpu.memref_slice %arg5[%mul3A_258, %dma_start3A_261] : memref<32x96xf32, #tpu.memory_space<hbm>> -> memref<2x96xf32, #tpu.memory_space<hbm>>
      tpu.enqueue_dma source(%arg9 : memref<2x96xf32, #tpu.memory_space<vmem>>) target(%dma_start3A_262 : memref<2x96xf32, #tpu.memory_space<hbm>>) target_semaphore(%run_scoped3A : memref<!tpu.dma_semaphore, #tpu.memory_space<semaphore_mem>>)
      %dma_wait3A_263 = arith.constant 0 : i32
      %dma_wait3A_264 = tpu.memref_slice %arg5[%mul3A_258, %dma_wait3A_263] : memref<32x96xf32, #tpu.memory_space<hbm>> -> memref<2x96xf32, #tpu.memory_space<hbm>>
      %dma_wait3A_265 = arith.constant 0 : i32
      %dma_wait3A_266 = tpu.memref_slice %arg5[%mul3A_258, %dma_wait3A_265] : memref<32x96xf32, #tpu.memory_space<hbm>> -> memref<2x96xf32, #tpu.memory_space<hbm>>
      tpu.wait_dma2 semaphore(%run_scoped3A : memref<!tpu.dma_semaphore, #tpu.memory_space<semaphore_mem>>) src(%arg9 : memref<2x96xf32, #tpu.memory_space<vmem>>) dst(%dma_wait3A_266 : memref<2x96xf32, #tpu.memory_space<hbm>>)
      tpu.yield
    }) : () -> ()
    return
  }
}

</mosaic_0001>

<sc_bundles>
// kernel: kernel.3.cloned.1.call-start
scs
__scs_entry_jumppad:
0x0: {  	(pc) =	sbr.rel $0x88, $3  }
0x1: {  	(tag) =	ssettag $0x0;
	lr =	simm.s32 $0x1  }
0x2: {  	[smem:$0x3F9E] =	sst lr;
	_ =	strace $0xD0000000  }
0x3: {  	_ = 	snop  }
0x4: {  	_ = 	snop  }
0x5: {  	_ = 	snop  }
0x6: {  	_ = 	snop  }
0x7: {  	_ = 	snop  }
__scs_overlays_trampoline_lowered:
0x8: {  	[smem:$0x3FAD] =	sst s0  }
0x9: {  	[smem:$0x3FAE] =	sst s1  }
0xa: {  	[smem:$0x3FAF] =	sst s2  }
0xb: {  	[smem:$0x3FB0] =	sst s3  }
0xc: {  	[smem:$0x3FB1] =	sst s4  }
0xd: {  	[smem:$0x3FB2] =	sst s5  }
0xe: {  	[smem:$0x3FB3] =	sst s6  }
0xf: {  	[smem:$0x3FB4] =	sst s7  }
0x10: {  	[smem:$0x3FB5] =	sst s8  }
0x11: {  	[smem:$0x3FB6] =	sst s9;
	s0 =	simm.s32 @!p0 $0x0  }
0x12: {  	s1 =	sld [smem:$0x3F9C];
	s0 =	simm.s32 @p0 $0x1  }
0x13: {  	[smem:$0x3FB7] =	sst s0;
	s0 =	simm.s32 @!p1 $0x0  }
0x14: {  	s2 =	sld [smem:$0x3F9B];
	s0 =	simm.s32 @p1 $0x1  }
0x15: {  	[smem:$0x3FB8] =	sst s0;
	s0 =	simm.s32 @!p2 $0x0  }
0x16: {  	s3 =	sld [smem:$0x3FDB];
	s0 =	simm.s32 @p2 $0x1  }
0x17: {  	s4 =	simm.s32 $0x1BF5;
	[smem:$0x3FBA] =	sst s0  }
0x18: {  	s0 =	sld [smem:$0x3F9D];
	_ =	swait.ge [sflag:s4], $0x0  }
0x19: {  	s7 =	sld [smem:$0x3F9E]  }
0x1a: {  	s8 =	sadd.s32 $0xFFFFE003, lr  }
0x1b: {  	s9 =	sadd.s32 $0xFFFFFEF7, lr;
	s5 =	simm.s32 $0xFFFFFFFF;
	p2 =	slt.u32 s8, $0xFFFFF086  }
0x1c: {  	p1 =	slt.u32 s9, $0xF7A;
	s5 =	simm.s32 @!p2 $0x0  }
0x1d: {  	s5 =	simm.s32 @p1 $0x1;
	p0 =	seq.s32 s7, s2  }
0x1e: {  	s7 =	smul.u32 @!p0 $0xF7A, s2;
	p2 =	seq.s32 @!p0 s5, $0x0  }
0x1f: {  	s9 =	smul.u32 $0xF7A, s1;
	s8 =	simm.s32 @!p0 $0x1BF5;
	p2 =	por !p2, p0  }
0x20: {  	[sflag:s8] =	ssyncset.s32 @!p0 $0xFFFFF086;
	s6 =	sadd.s32 @!p0 s3, s7;
	s7 =	simm.s32 @!p0 $0x108  }
0x21: {  	s3 =	sadd.s32 s3, s9;
	s6 =	sadd.s32 @!p0 $0x88, s6;
	s7 =	simm.s32 @p2 $0x1082  }
0x22: {  	[simem:s7], [sflag:s8] =	dma.local @!p0 [hbm:s6], $0xF7A  }
0x23: {  	s9 =	sor.u32 $0xD0000000, s2;
	s6 =	simm.s32 $0x108;
	_ =	swait.ge @!p0 [sflag:s8], $0x0  }
0x24: {  	s3 =	sadd.s32 $0x88, s3;
	s6 =	simm.s32 @!p1 $0x1082;
	[sflag:s4] =	ssyncset.s32 $0xFFFFF086  }
0x25: {  	[simem:s6], [sflag:s4] =	dma.local [hbm:s3], $0xF7A  }
0x26: {  	[smem:$0x3F9E] =	sst s1;
	(tag) =	ssettag s2;
	_ =	strace s9  }
0x27: {  	s1 =	sld [smem:$0x3FAE]  }
0x28: {  	s2 =	sld [smem:$0x3FAF]  }
0x29: {  	s4 =	sld [smem:$0x3FB1]  }
0x2a: {  	p0 =	seq.s32 s5, $0x0;
	s5 =	sld [smem:$0x3FB2]  }
0x2b: {  	s6 =	sld [smem:$0x3FB3]  }
0x2c: {  	s7 =	sld [smem:$0x3FB4]  }
0x2d: {  	s3 =	simm.s32 $0x108;
	s8 =	sld [smem:$0x3FB5]  }
0x2e: {  	s3 =	simm.s32 @!p0 $0x1082;
	s9 =	sld [smem:$0x3FB6]  }
0x2f: {  	lr =	sadd.s32 s0, s3;
	s0 =	sld [smem:$0x3FAD]  }
0x30: {  	s3 =	sld [smem:$0x3FB0]  }
0x31: {  	[smem:$0x3FB9] =	sst s10  }
0x32: {  	s10 =	sld [smem:$0x3FB7];
	_ =	sdelay $0x3  }
0x33: {  	p0 =	seq.s32 s10, $0x1;
	s10 =	sld [smem:$0x3FB9];
	_ =	sdelay $0x3  }
0x34: {  	[smem:$0x3FB9] =	sst s10  }
0x35: {  	s10 =	sld [smem:$0x3FB8];
	_ =	sdelay $0x3  }
0x36: {  	p1 =	seq.s32 s10, $0x1;
	s10 =	sld [smem:$0x3FB9];
	_ =	sdelay $0x3  }
0x37: {  	[smem:$0x3FB9] =	sst s10  }
0x38: {  	s10 =	sld [smem:$0x3FBA]  }
0x39: {  	_ = 	snop;
	(pc) =	sbr.ind lr, $3  }
0x3a: {  	_ = 	snop  }
0x3b: {  	_ = 	snop  }
0x3c: {  	p2 =	seq.s32 s10, $0x1;
	s10 =	sld [smem:$0x3FB9]  }
0x3d: {  	_ =	shalt  }
0x3e: {  	_ =	shalt  }
0x3f: {  	_ =	shalt  }
0x40: {  	_ =	shalt  }
0x41: {  	_ =	shalt  }
0x42: {  	_ =	shalt  }
0x43: {  	_ =	shalt  }
0x44: {  	_ =	shalt  }
0x45: {  	_ =	shalt  }
0x46: {  	_ =	shalt  }
0x47: {  	_ =	shalt  }
0x48: {  	_ =	shalt  }
0x49: {  	_ =	shalt  }
0x4a: {  	_ =	shalt  }
0x4b: {  	_ =	shalt  }
0x4c: {  	_ =	shalt  }
0x4d: {  	_ =	shalt  }
0x4e: {  	_ =	shalt  }
0x4f: {  	_ =	shalt  }
0x50: {  	_ =	shalt  }
0x51: {  	_ =	shalt  }
0x52: {  	_ =	shalt  }
0x53: {  	_ =	shalt  }
0x54: {  	_ =	shalt  }
0x55: {  	_ =	shalt  }
0x56: {  	_ =	shalt  }
0x57: {  	_ =	shalt  }
0x58: {  	_ =	shalt  }
0x59: {  	_ =	shalt  }
0x5a: {  	_ =	shalt  }
0x5b: {  	_ =	shalt  }
0x5c: {  	_ =	shalt  }
0x5d: {  	_ =	shalt  }
0x5e: {  	_ =	shalt  }
0x5f: {  	_ =	shalt  }
0x60: {  	_ =	shalt  }
0x61: {  	_ =	shalt  }
0x62: {  	_ =	shalt  }
0x63: {  	_ =	shalt  }
0x64: {  	_ =	shalt  }
0x65: {  	_ =	shalt  }
0x66: {  	_ =	shalt  }
0x67: {  	_ =	shalt  }
0x68: {  	_ =	shalt  }
0x69: {  	_ =	shalt  }
0x6a: {  	_ =	shalt  }
0x6b: {  	_ =	shalt  }
0x6c: {  	_ =	shalt  }
0x6d: {  	_ =	shalt  }
0x6e: {  	_ =	shalt  }
0x6f: {  	_ =	shalt  }
0x70: {  	_ =	shalt  }
0x71: {  	_ =	shalt  }
0x72: {  	_ =	shalt  }
0x73: {  	_ =	shalt  }
0x74: {  	_ =	shalt  }
0x75: {  	_ =	shalt  }
0x76: {  	_ =	shalt  }
0x77: {  	_ =	shalt  }
0x78: {  	_ =	shalt  }
0x79: {  	_ =	shalt  }
0x7a: {  	_ =	shalt  }
0x7b: {  	_ =	shalt  }
0x7c: {  	_ =	shalt  }
0x7d: {  	_ =	shalt  }
0x7e: {  	_ =	shalt  }
0x7f: {  	_ =	shalt  }
0x80: {  	_ =	shalt  }
0x81: {  	_ =	shalt  }
0x82: {  	_ =	shalt  }
0x83: {  	_ =	shalt  }
0x84: {  	_ =	shalt  }
0x85: {  	_ =	shalt  }
0x86: {  	_ =	shalt  }
0x87: {  	_ =	shalt  }
.Lfunc_end0:
.L_simem_size_0:
called_computation_lowered:
.L_overlay_start_0:
0x88: {  	s0 =	sld [smem:$0x3FD9]  }
0x89: {  	s1 =	sld [smem:$0x3FFE];
	_ =	sdelay $0x3  }
0x8a: {  	s0 =	sadd.s32 s1, s0  }
0x8b: {  	[smem:$0x3FC5] =	sst s0  }
0x8c: {  	_ = 	snop  }
0x8d: {  	s0 =	sld [smem:$0x3FC9]  }
0x8e: {  	s17 =	sld [smem:$0x3FC8]  }
0x8f: {  	s2 =	sld [smem:$0x3FC7]  }
0x90: {  	s3 =	sld [smem:$0x3FD0];
	(tm) =	ssettm $0x1  }
0x91: {  	s4 =	sld [smem:$0x3FFB];
	_ =	sdelay $0x3  }
0x92: {  	_ =	strace s4  }
0x93: {  	s4 =	sld [smem:$0x3FFC];
	_ =	sdelay $0x3  }
0x94: {  	_ =	strace s4  }
0x95: {  	s4 =	sld [smem:$0x3FFD];
	_ =	sdelay $0x3  }
0x96: {  	_ =	strace s4  }
0x97: {  	_ =	strace $0x8FFFFFFF  }
0x98: {  	s18 =	sld [smem:$0x3FDB];
	_ =	sdelay $0x1  }
0x99: {  	s5 =	simm.s32 $_scs_section_size  }
0x9a: {  	s6 =	simm.s32 $_size__tile_overlayer_lowered;
	s7 =	simm.s32 $_tile_overlayer_lowered  }
0x9b: {  	s21 =	simm.s32 $0x1BFF;
	s20 =	sshll.u32 s7, $0x1;
	s4 =	sadd.s32 s5, s18  }
0x9c: {  	s8 =	simm.s32 $0x0;
	s19 =	sshll.u32 s6, $0x1;
	s6 =	sadd.s32 s20, s4  }
0x9d: {  	[timem:s8], [sflag:s21] =	dma.local [hbm:s6], s19  }
0x9e: {  	_ =	swait.ge [sflag:s21], s19  }
0x9f: {  	s5 =	ssub.s32 $0x0, s19;
	[sflag:s21] =	ssyncset.done $0x0  }
0xa0: {  	[sflag:s21] =	ssyncadd.s32 s5;
	_ =	sdelay $0x1  }
0xa1: {  	s22 =	simm.s32 $0x1B8B  }
0xa2: {  	_ =	swait.ge [sflag:s22], $0x1  }
0xa3: {  	[sflag:s22] =	ssyncset.done $0x0  }
0xa4: {  	s23 =	simm.s32 $0x1B8E;
	[sflag:s22] =	ssyncadd.s32 $0xFFFFFFFF  }
0xa5: {  	s24 =	simm.s32 $execute0_lowered;
	[smem:$0x3FD2] =	sst s23  }
0xa6: {  	s5 =	sshll.u32 s24, $0x1;
	_ =	strace $0x80000046;
	[dreg:$0x1] =	wrdreg $0xFFFFFFFF  }
0xa7: {  	s25 =	simm.s32 $_size_execute0_lowered;
	s4 =	sadd.s32 s4, s5;
	[dreg:$0x0] =	wrdreg $0x0  }
0xa8: {  	s5 =	sshll.u32 s25, $0x1;
	[dreg:$0x2] =	wrdreg s4  }
0xa9: {  	[dreg:$0x3] =	wrdreg s5  }
0xaa: {  	[dreg:$0x4] =	wrdreg $0xC0  }
0xab: {  	_ =	task [dreg:s8], $0x5FFFF  }
0xac: {  	[dreg:$0x1] =	wrdreg $0xFFFFFFFF  }
0xad: {  	[dreg:$0x0] =	wrdreg $0x60  }
0xae: {  	[dreg:$0x2] =	wrdreg s0  }
0xaf: {  	[dreg:$0x3] =	wrdreg s17  }
0xb0: {  	[dreg:$0x4] =	wrdreg s2  }
0xb1: {  	[dreg:$0x5] =	wrdreg s3  }
0xb2: {  	[dreg:$0x6] =	wrdreg $0x9  }
0xb3: {  	_ =	task.clear_ibuf [dreg:s8], $0x7FFFF;
	_ =	strace $0x90000046  }
0xb4: {  	s26 =	simm.s32 $0x9;
	_ =	strace $0x80000048  }
0xb5: {  	_ =	swait.ge [sflag:s26], $0x1  }
0xb6: {  	[sflag:s26] =	ssyncadd.s32 $0xFFFFFFFF  }
0xb7: {  	_ =	strace $0x90000048  }
0xb8: {  	_ =	sfence  }
0xb9: {  	s28 =	sld [smem:$0x0];
	_ =	sdelay $0x1  }
0xba: {  	s29 =	srdreg.scid  }
0xbb: {  	s30 =	sshll.u32 s29, $0xD;
	s31 =	sshrl.u32 s29, $0x2  }
0xbc: {  	s1 =	sand.u32 $0x1, s29;
	s2 =	sand.u32 $0x4000, s30;
	s0 =	sadd.s32 s31, s28  }
0xbd: {  	s1 =	sor.u32 s2, s1;
	s0 =	sshll.u32 s0, $0x11  }
0xbe: {  	s0 =	sor.u32 s0, s1  }
0xbf: {  	s0 =	sadd.s32 $0x8F2B, s0  }
0xc0: {  	[sflag:s0] =	ssyncadd.remote.s32 $0x1  }
0xc1: {  	_ =	sfence.sel $0xFFFF  }
0xc2: {  	[dreg:$0x0] =	wrdreg $0xFFFFFFFF;
	(pc) =	sbr.abs _section_cstart, $3  }
0xc3: {  	[dreg:$0x1] =	wrdreg $0xFFFFFFFF  }
0xc4: {  	_ =	task.clear_ibuf [dreg:s8], $0x2FFFF;
	_ =	strace $0x9FFFFFFF  }
0xc5: {  	(tm) =	ssettm $0x7FFFFFFF  }
tec
execute0_lowered:
.L_overlay_start_1:
0x0: {  	(tag) =	ssettag $0x1  }
0x1: {  	s3 =	rddreg [dreg:$0x0]  }
0x2: {  	s4 =	rddreg [dreg:$0x1]  }
0x3: {  	s5 =	rddreg [dreg:$0x2]  }
0x4: {  	s2 =	rddreg [dreg:$0x3];
	s1 =	simm.s32 $0x0  }
0x5: {  	[smem:$0x7FF] =	sst s1  }
0x6: {  	s0 =	rddreg [dreg:$0x4];
	_ =	strace $0x80000047  }
0x7: {  	[tilespmem:s1], [sflag:$0x1] =	stream.linear.gather [hbm4b:s3+s1], $0x32, $0x38;
	[tilespmem:$0x280] =	vst v63  }
0x8: {  	s20 =	simm.s32 $0x80  }
0x9: {  	[tilespmem:s20], [sflag:$0x1] =	stream.linear.gather [hbm4b:s4+s1], $0x32, $0x38;
	[tilespmem:$0x280] =	vst v63  }
0xa: {  	s21 =	simm.s32 $0x100;
	s22 =	simm.s32 $0x1  }
0xb: {  	[tilespmem:s21], [sflag:$0x1] =	stream.linear.gather [hbm4b:s5+s1], $0x80, $0x38;
	[tilespmem:$0x280] =	vst v63  }
0xc: {  	_ =	swait.ge [sflag:s22], $0x32  }
0xd: {  	[sflag:s22] =	ssyncset.done $0x0  }
0xe: {  	[sflag:s22] =	ssyncadd.s32 $0xFFFFFFCE  }
0xf: {  	_ =	swait.ge [sflag:s22], $0x32  }
0x10: {  	[sflag:s22] =	ssyncset.done $0x0  }
0x11: {  	[sflag:s22] =	ssyncadd.s32 $0xFFFFFFCE  }
0x12: {  	_ =	swait.ge [sflag:s22], $0x80  }
0x13: {  	[sflag:s22] =	ssyncset.done $0x0  }
0x14: {  	[sflag:s22] =	ssyncadd.s32 $0xFFFFFF80  }
0x15: {  	v0 =	vld [tilespmem:$0x0]  }
0x16: {  	v1 =	vld [tilespmem:$0x10]  }
0x17: {  	v2 =	vld [tilespmem:$0x80]  }
0x18: {  	v3 =	vld [tilespmem:$0x90]  }
0x19: {  	v4 =	vld [tilespmem:$0x20]  }
0x1a: {  	v5 =	vld [tilespmem:$0xA0]  }
0x1b: {  	s3 =	stileid.u32;
	v6 =	vld [tilespmem:$0xB0]  }
0x1c: {  	s23 =	sshll.u32 s3, $0x1;
	v0 =	vadd.f32 $0.0e+00, v0  }
0x1d: {  	v7 =	vld [tilespmem:$0x30];
	vm0 =	veq.s32 v2, s23;
	vm1 =	veq.s32 v3, s23  }
0x1e: {  	v9 =	vnsel vm1, $0x0, v1;
	v8 =	vnsel vm0, $0x0, v0  }
0x1f: {  	vm10 =	veq.s32 v5, s23;
	v8 =	vadd.f32 v9, v8  }
0x20: {  	vm12 =	vmmov $0x3;
	vm11 =	veq.s32 v6, s23;
	v55 =	vnsel vm10, $0x0, v4  }
0x21: {  	vm0 =	vmand vm11, vm12;
	v8 =	vadd.f32 v55, v8  }
0x22: {  	v56 =	vnsel vm0, $0x0, v7  }
0x23: {  	v8 =	vadd.f32 v56, v8;
	_ =	sdelay $0x1  }
0x24: {  	(v2sf) =	vpush v8, $0x0  }
0x25: {  	(v2sf) =	vpush v8, $0x1  }
0x26: {  	(v2sf) =	vpush v8, $0x2  }
0x27: {  	(v2sf) =	vpush v8, $0x3  }
0x28: {  	(v2sf) =	vpush v8, $0x4  }
0x29: {  	(v2sf) =	vpush v8, $0x5  }
0x2a: {  	(v2sf) =	vpush v8, $0x6  }
0x2b: {  	s24 =	sshllo.u32 s3, $0x1;
	(v2sf) =	vpush v8, $0x7  }
0x2c: {  	vm13 =	veq.s32 v2, s24;
	vm2 =	veq.s32 v3, s24;
	(v2sf) =	vpush v8, $0x8  }
0x2d: {  	v1 =	vnsel vm2, $0x0, v1;
	v0 =	vnsel vm13, $0x0, v0;
	(v2sf) =	vpush v8, $0x9  }
0x2e: {  	vm14 =	veq.s32 v5, s24;
	v0 =	vadd.f32 v1, v0;
	(v2sf) =	vpush v8, $0xA  }
0x2f: {  	vm15 =	veq.s32 v6, s24;
	v57 =	vnsel vm14, $0x0, v4;
	(v2sf) =	vpush v8, $0xB  }
0x30: {  	vm0 =	vmand vm15, vm12;
	v0 =	vadd.f32 v57, v0;
	(v2sf) =	vpush v8, $0xC  }
0x31: {  	v58 =	vnsel vm0, $0x0, v7;
	(v2sf) =	vpush v8, $0xD  }
0x32: {  	v0 =	vadd.f32 v58, v0;
	(v2sf) =	vpush v8, $0xE  }
0x33: {  	s25 =	spop (v2sf);
	(v2sf) =	vpush v8, $0xF  }
0x34: {  	s26 =	spop (v2sf);
	(v2sf) =	vpush v0, $0x0  }
0x35: {  	s6 =	spop (v2sf);
	(v2sf) =	vpush v0, $0x1  }
0x36: {  	s7 =	spop (v2sf)  }
0x37: {  	(v2sf) =	vpush v0, $0x2;
	s8 =	spop (v2sf)  }
0x38: {  	s9 =	spop (v2sf)  }
0x39: {  	(v2sf) =	vpush v0, $0x3;
	s10 =	spop (v2sf)  }
0x3a: {  	s11 =	spop (v2sf)  }
0x3b: {  	(v2sf) =	vpush v0, $0x4;
	s12 =	spop (v2sf)  }
0x3c: {  	s13 =	spop (v2sf)  }
0x3d: {  	(v2sf) =	vpush v0, $0x5;
	s14 =	spop (v2sf)  }
0x3e: {  	s4 =	sadd.f32 s26, s25;
	s15 =	spop (v2sf)  }
0x3f: {  	(v2sf) =	vpush v0, $0x6;
	s28 =	spop (v2sf)  }
0x40: {  	s4 =	sadd.f32 s4, s6;
	s16 =	spop (v2sf)  }
0x41: {  	(v2sf) =	vpush v0, $0x7;
	s29 =	spop (v2sf)  }
0x42: {  	s4 =	sadd.f32 s4, s7;
	s17 =	spop (v2sf)  }
0x43: {  	(v2sf) =	vpush v0, $0x8;
	s30 =	spop (v2sf)  }
0x44: {  	s4 =	sadd.f32 s4, s8;
	s31 =	spop (v2sf)  }
0x45: {  	(v2sf) =	vpush v0, $0x9;
	s7 =	sadd.f32 s31, s30  }
0x46: {  	s4 =	sadd.f32 s4, s9;
	s9 =	spop (v2sf)  }
0x47: {  	(v2sf) =	vpush v0, $0xA;
	s7 =	sadd.f32 s7, s9  }
0x48: {  	s4 =	sadd.f32 s4, s10;
	s10 =	spop (v2sf)  }
0x49: {  	(v2sf) =	vpush v0, $0xB;
	s7 =	sadd.f32 s7, s10  }
0x4a: {  	s4 =	sadd.f32 s4, s11;
	s11 =	spop (v2sf)  }
0x4b: {  	(v2sf) =	vpush v0, $0xC;
	s7 =	sadd.f32 s7, s11  }
0x4c: {  	s4 =	sadd.f32 s4, s12;
	s12 =	spop (v2sf)  }
0x4d: {  	(v2sf) =	vpush v0, $0xD;
	s7 =	sadd.f32 s7, s12  }
0x4e: {  	s4 =	sadd.f32 s4, s13;
	s13 =	spop (v2sf)  }
0x4f: {  	(v2sf) =	vpush v0, $0xE;
	s7 =	sadd.f32 s7, s13  }
0x50: {  	s18 =	spop (v2sf)  }
0x51: {  	(v2sf) =	vpush v0, $0xF;
	s7 =	sadd.f32 s7, s18  }
0x52: {  	s19 =	spop (v2sf)  }
0x53: {  	s7 =	sadd.f32 s7, s19  }
0x54: {  	s4 =	sadd.f32 s4, s14;
	s20 =	spop (v2sf)  }
0x55: {  	s5 =	sadd.f32 s7, s20  }
0x56: {  	s4 =	sadd.f32 s4, s15;
	s21 =	spop (v2sf)  }
0x57: {  	s5 =	sadd.f32 s5, s21  }
0x58: {  	s4 =	sadd.f32 s4, s28;
	s22 =	spop (v2sf)  }
0x59: {  	s5 =	sadd.f32 s5, s22  }
0x5a: {  	v63 =	vimm.f32 $0.0e+00;
	s4 =	sadd.f32 s4, s16;
	s23 =	spop (v2sf)  }
0x5b: {  	v59 =	vld [tilespmem:$0x100];
	[tilespmem:$0x1A0] =	vst v63;
	s5 =	sadd.f32 s5, s23  }
0x5c: {  	v60 =	vld [tilespmem:$0x110];
	[tilespmem:$0x1B0] =	vst v63;
	s4 =	sadd.f32 s4, s29;
	s24 =	spop (v2sf)  }
0x5d: {  	[tilespmem:$0x1C0] =	vst v63;
	s5 =	sadd.f32 s5, s24  }
0x5e: {  	[tilespmem:$0x1D0] =	vst v63;
	s4 =	sadd.f32 s4, s17;
	s25 =	spop (v2sf)  }
0x5f: {  	[tilespmem:$0x220] =	vst v63;
	s26 =	sadd.f32 s5, s25  }
0x60: {  	[tilespmem:$0x230] =	vst v63;
	s28 =	spop (v2sf)  }
0x61: {  	[tilespmem:$0x240] =	vst v63;
	v61 =	vmul.f32 s4, v59;
	v62 =	vmul.f32 s4, v60;
	s4 =	sadd.f32 s26, s28  }
0x62: {  	[tilespmem:$0x250] =	vst v63  }
0x63: {  	[tilespmem:$0x180] =	vst v61;
	v0 =	vmul.f32 s4, v59  }
0x64: {  	[tilespmem:$0x190] =	vst v62;
	v1 =	vmul.f32 s4, v60  }
0x65: {  	s29 =	sshll.u32 s3, $0x5;
	[tilespmem:$0x200] =	vst v0  }
0x66: {  	s30 =	simm.s32 $0x180;
	s31 =	simm.s32 $0x2;
	s2 =	sadd.s32 s2, s29;
	[tilespmem:$0x210] =	vst v1  }
0x67: {  	[hbm4b:s2+s1] =	stream.linear.scatter [tilespmem:s30], [sflag:$0x2], $0x100, $0x38;
	[tilespmem:$0x280] =	vst v63  }
0x68: {  	_ =	swait.ge [sflag:s31], $0x100  }
0x69: {  	[sflag:s31] =	ssyncset.done $0x0  }
0x6a: {  	[sflag:s31] =	ssyncadd.s32 $0xFFFFFF00  }
0x6b: {  	_ =	sfence.sel $0x180000  }
0x6c: {  	[bflag:$0x0] =	sbarrier.arrive $0xFFFF  }
0x6d: {  	p0 =	sne.s32 s3, $0x0;
	_ =	strace $0x90000047  }
0x6e: {  	s0 =	sadd.s32 @!p0 $0x100000, s0;
	[bflag:$0x2] =	sbarrier.arrive $0xFFFF  }
0x6f: {  	[sflag:s0] =	ssyncadd.tile.s32 @!p0 $0x1;
	_ =	shalt  }
.Lfunc_end2:
_tile_overlayer_lowered:
.L_overlay_start_2:
0x70: {  	(tag) =	ssettag $0x2  }
0x71: {  	s0 =	rddreg [dreg:$0x0];
	s2 =	stileid.u32  }
0x72: {  	s1 =	rddreg [dreg:$0x1];
	p0 =	sne.s32 s2, $0x0  }
0x73: {  	s3 =	rddreg [dreg:$0x2];
	[bflag:$0x3] =	sbarrier.arrive $0xFFFF;
	s2 =	simm.s32 @!p0 $0x1C02  }
0x74: {  	[timem:s3], [sflag:s2] =	dma.local @!p0 [hbm:s0], s1  }
0x75: {  	s0 =	simm.s32 @!p0 $0x2  }
0x76: {  	_ =	swait.ge @!p0 [sflag:s0], s1  }
0x77: {  	s1 =	ssub.s32 @!p0 $0x0, s1;
	[sflag:s0] =	ssyncset.done @!p0 $0x0  }
0x78: {  	[sflag:s0] =	ssyncadd.s32 @!p0 s1  }
0x79: {  	[bflag:$0x3] =	sbarrier.arrive $0xFFFF  }
0x7a: {  	_ =	shalt  }

</sc_bundles>
